<compile_context>
chip_gen: v7x
topology: tpu7x:2x2x1
jax: 0.10.2.dev20260603
libtpu: 0.0.44.dev20260713+nightly
codegen_flags: <defaults>
</compile_context>

<pallas_src>
import functools

import jax
import jax.numpy as jnp
from jax import lax
from jax.experimental import pallas as pl
from jax.experimental.pallas import tpu as pltpu
from jax.experimental.pallas import tpu_sc as plsc

D_MODEL = 4096
NUM_EXPERTS = 64
TOP_K = 8
CAPACITY_FACTOR = 1.25
ALPHA = 0.01

BLK = 1024
N_TOK = 16384
NW = 32
TPW = N_TOK // NW
L = 16


def _logits_kernel(x_ref, wt_ref, b_ref, out_ref):
    out_ref[...] = jnp.dot(x_ref[...], wt_ref[...],
                           preferred_element_type=jnp.float32) + b_ref[...]


def _merge_desc(ak, av, bk, bv):
    rbk = lax.rev(bk, (0,))
    rbv = lax.rev(bv, (0,))
    ge = ak >= rbk
    hk = jnp.where(ge, ak, rbk)
    hv = jnp.where(ge, av, rbv)
    return plsc.sort_key_val(hk, hv, descending=True)


def _route_sc_body(lg_hbm, idx_hbm, w_hbm, load_hbm, lg_v, idx_v, w_v,
                   load_v, sem):
    wid = lax.axis_index("s") * 2 + lax.axis_index("c")
    base = wid * TPW
    pltpu.async_copy(lg_hbm.at[pl.ds(base, TPW)], lg_v, sem).wait()

    lane = jnp.arange(L, dtype=jnp.int32)
    mask8 = lane < TOP_K
    ones8 = jnp.where(mask8, jnp.float32(1.0), jnp.float32(0.0))
    zeros = jnp.zeros((L,), jnp.float32)
    for j in range(NUM_EXPERTS // L):
        load_v[pl.ds(j * L, L)] = zeros

    def body(t, carry):
        ks = []
        vs = []
        for j in range(NUM_EXPERTS // L):
            kj = lg_v[t, pl.ds(j * L, L)]
            vj = lane + jnp.int32(j * L)
            kjs, vjs = plsc.sort_key_val(kj, vj, descending=True)
            ks.append(kjs)
            vs.append(vjs)
        k01, v01 = _merge_desc(ks[0], vs[0], ks[1], vs[1])
        k23, v23 = _merge_desc(ks[2], vs[2], ks[3], vs[3])
        kf, vf = _merge_desc(k01, v01, k23, v23)

        m = jnp.max(kf)
        e = jnp.where(mask8, jnp.exp(kf - m), 0.0)
        w = e / jnp.sum(e)
        idx_v[t, :] = vf
        w_v[t, :] = w
        plsc.addupdate_scatter(load_v, [vf], ones8, mask=mask8)
        return carry

    lax.fori_loop(0, TPW, body, 0)

    pltpu.sync_copy(idx_v, idx_hbm.at[pl.ds(base, TPW)])
    pltpu.sync_copy(w_v, w_hbm.at[pl.ds(base, TPW)])
    pltpu.sync_copy(load_v, load_hbm.at[wid])


def kernel(x, W, b):
    batch, seq, d_model = x.shape
    n_tokens = batch * seq
    xf = x.reshape(n_tokens, d_model)
    wt = W.T
    n_steps = n_tokens // BLK

    logits = pl.pallas_call(
        _logits_kernel,
        grid=(n_steps,),
        in_specs=[
            pl.BlockSpec((BLK, d_model), lambda i: (i, 0)),
            pl.BlockSpec((d_model, NUM_EXPERTS), lambda i: (0, 0)),
            pl.BlockSpec((NUM_EXPERTS,), lambda i: (0,)),
        ],
        out_specs=pl.BlockSpec((BLK, NUM_EXPERTS), lambda i: (i, 0)),
        out_shape=jax.ShapeDtypeStruct((n_tokens, NUM_EXPERTS), jnp.float32),
    )(xf, wt, b)

    route = functools.partial(
        pl.kernel,
        mesh=plsc.VectorSubcoreMesh(core_axis_name="c", subcore_axis_name="s"),
        compiler_params=pltpu.CompilerParams(needs_layout_passes=False,
                                             use_tc_tiling_on_sc=False),
        out_type=[
            jax.ShapeDtypeStruct((N_TOK, L), jnp.int32),
            jax.ShapeDtypeStruct((N_TOK, L), jnp.float32),
            jax.ShapeDtypeStruct((NW, NUM_EXPERTS), jnp.float32),
        ],
        scratch_types=[
            pltpu.VMEM((TPW, NUM_EXPERTS), jnp.float32),
            pltpu.VMEM((TPW, L), jnp.int32),
            pltpu.VMEM((TPW, L), jnp.float32),
            pltpu.VMEM((NUM_EXPERTS,), jnp.float32),
            pltpu.SemaphoreType.DMA,
        ],
    )(_route_sc_body)

    idx16, w16, loads = route(logits)

    load = loads.sum(axis=0)
    capacity = CAPACITY_FACTOR * (n_tokens * TOP_K) / NUM_EXPERTS
    aux = ALPHA * jax.nn.relu(load - capacity).sum() / NUM_EXPERTS / n_tokens

    return (idx16[:, :TOP_K].reshape(batch, seq, TOP_K),
            w16[:, :TOP_K].reshape(batch, seq, TOP_K),
            aux)

# --- scband reference (transcript-rebuilt; emitter-appended) ---
"""Pipeline reference for scband-mo-egate-10754598109816 (READ-ONLY COPY).

The authoritative reference and input builder live on the scoring server;
editing this copy changes nothing except your own understanding.
"""

import jax, jax.numpy as jnp
import numpy as np

D_MODEL = 4096
NUM_EXPERTS = 64
TOP_K = 8
CAPACITY_FACTOR = 1.25
ALPHA = 0.01
NORM_TOPK_PROB = True


def setup_inputs(seed: int = 0) -> dict:
    key = jax.random.key(seed)
    k1, k2 = jax.random.split(key, 2)
    x = jax.random.normal(k1, (4, 4096, D_MODEL), dtype=jnp.float32)
    W = jax.random.normal(k2, (NUM_EXPERTS, D_MODEL), dtype=jnp.float32) * 0.02
    b = jnp.zeros((NUM_EXPERTS,), dtype=jnp.float32)
    return {"x": x, "W": W, "b": b}


def reference(x, W, b):
    batch_size, seq_len, d_model = x.shape
    xf = x.reshape(-1, d_model)
    logits = xf @ W.T + b
    scores = jax.nn.softmax(logits, axis=-1)
    topk_weights, topk_indices = jax.lax.top_k(scores, TOP_K)
    if TOP_K > 1 and NORM_TOPK_PROB:
        denominator = jnp.sum(topk_weights, axis=-1, keepdims=True) + 1e-09
        topk_weights = topk_weights / denominator
    one_hot = jax.nn.one_hot(topk_indices, NUM_EXPERTS, dtype=jnp.float32)
    load = one_hot.reshape(-1, NUM_EXPERTS).sum(axis=0)
    n_tokens = xf.shape[0]
    capacity = CAPACITY_FACTOR * (n_tokens * TOP_K) / NUM_EXPERTS
    capacity_penalty = jax.nn.relu(load - capacity).sum() / NUM_EXPERTS / (batch_size * seq_len)
    aux_loss = ALPHA * capacity_penalty
    topk_indices = topk_indices.reshape(batch_size, seq_len, TOP_K)
    topk_weights = topk_weights.reshape(batch_size, seq_len, TOP_K)
    return (topk_indices, topk_weights, aux_loss)

if __name__ == "__main__":
    import jax
    _d = setup_inputs()
    print(jax.jit(kernel)(*tuple(_d.values())))

</pallas_src>

<mosaic_0001>
#map = affine_map<(d0, d1) -> (0, 0)>
module attributes {stable_mosaic.version = 14 : i64} {
  func.func @_route_sc_body(%arg0: i32, %arg1: i32, %arg2: memref<16384x64xf32, #tpu.memory_space<hbm>>, %arg3: memref<16384x16xi32, #tpu.memory_space<hbm>>, %arg4: memref<16384x16xf32, #tpu.memory_space<hbm>>, %arg5: memref<32x64xf32, #tpu.memory_space<hbm>>, %arg6: memref<512x64xf32, #tpu.memory_space<vmem>>, %arg7: memref<512x16xi32, #tpu.memory_space<vmem>>, %arg8: memref<512x16xf32, #tpu.memory_space<vmem>>, %arg9: memref<64xf32, #tpu.memory_space<vmem>>, %arg10: memref<!tpu.dma_semaphore, #tpu.memory_space<semaphore_mem>>) attributes {dimension_semantics = [#tpu.dimension_semantics<core_parallel>, #tpu.dimension_semantics<subcore_parallel>], iteration_bounds = array<i64: 2, 16>, scalar_prefetch = 0 : i64, scratch_operands = 5 : i64, tpu.core_type = #tpu.core_type<sc_vector_subcore>, window_params = [{transform_indices = #map}, {transform_indices = #map}, {transform_indices = #map}, {transform_indices = #map}]} {
    %mul3A = arith.constant 2 : i32
    %mul3A_0 = arith.muli %arg1, %mul3A : i32
    %add3A = arith.addi %mul3A_0, %arg0 : i32
    %mul3A_1 = arith.constant 512 : i32
    %mul3A_2 = arith.muli %add3A, %mul3A_1 : i32
    %dma_start3A = arith.constant 0 : i32
    %dma_start3A_3 = tpu.memref_slice %arg2[%mul3A_2, %dma_start3A] : memref<16384x64xf32, #tpu.memory_space<hbm>> -> memref<512x64xf32, #tpu.memory_space<hbm>>
    %dma_start3A_4 = arith.constant 0 : i32
    %dma_start3A_5 = tpu.memref_slice %arg2[%mul3A_2, %dma_start3A_4] : memref<16384x64xf32, #tpu.memory_space<hbm>> -> memref<512x64xf32, #tpu.memory_space<hbm>>
    tpu.enqueue_dma source(%dma_start3A_5 : memref<512x64xf32, #tpu.memory_space<hbm>>) target(%arg6 : memref<512x64xf32, #tpu.memory_space<vmem>>) target_semaphore(%arg10 : memref<!tpu.dma_semaphore, #tpu.memory_space<semaphore_mem>>)
    %dma_wait3A = arith.constant 0 : i32
    %dma_wait3A_6 = tpu.memref_slice %arg2[%mul3A_2, %dma_wait3A] : memref<16384x64xf32, #tpu.memory_space<hbm>> -> memref<512x64xf32, #tpu.memory_space<hbm>>
    %dma_wait3A_7 = arith.constant 0 : i32
    %dma_wait3A_8 = tpu.memref_slice %arg2[%mul3A_2, %dma_wait3A_7] : memref<16384x64xf32, #tpu.memory_space<hbm>> -> memref<512x64xf32, #tpu.memory_space<hbm>>
    tpu.wait_dma2 semaphore(%arg10 : memref<!tpu.dma_semaphore, #tpu.memory_space<semaphore_mem>>) src(%dma_wait3A_8 : memref<512x64xf32, #tpu.memory_space<hbm>>) dst(%arg6 : memref<512x64xf32, #tpu.memory_space<vmem>>)
    %iota3A = tpu.iota {dimensions = array<i32: 0>} : vector<16xi32>
    %lt3A = arith.constant 8 : i32
    %lt3A_9 = vector.broadcast %lt3A : i32 to vector<16xi32>
    %lt3A_10 = arith.cmpi slt, %iota3A, %lt3A_9 : vector<16xi32>
    %jit3A = arith.constant 1.000000e+00 : f32
    %jit3A_11 = arith.constant 0.000000e+00 : f32
    %broadcast_in_dim3A = vector.broadcast %jit3A : f32 to vector<16xf32>
    %broadcast_in_dim3A_12 = vector.broadcast %jit3A_11 : f32 to vector<16xf32>
    %select_n3A = arith.select %lt3A_10, %broadcast_in_dim3A, %broadcast_in_dim3A_12 : vector<16xi1>, vector<16xf32>
    %broadcast_in_dim3A_13 = arith.constant 0.000000e+00 : f32
    %broadcast_in_dim3A_14 = vector.broadcast %broadcast_in_dim3A_13 : f32 to vector<16xf32>
    %swap3A = arith.constant 0 : index
    %swap3A_15 = tpu.vector_load %arg9[%swap3A] {strides = array<i32>} : memref<64xf32, #tpu.memory_space<vmem>>, vector<16xf32>,
    tpu.vector_store %arg9[%swap3A], %broadcast_in_dim3A_14 {strides = array<i32>} : memref<64xf32, #tpu.memory_space<vmem>>, vector<16xf32>,
    %swap3A_16 = arith.constant 16 : index
    %swap3A_17 = tpu.vector_load %arg9[%swap3A_16] {strides = array<i32>} : memref<64xf32, #tpu.memory_space<vmem>>, vector<16xf32>,
    tpu.vector_store %arg9[%swap3A_16], %broadcast_in_dim3A_14 {strides = array<i32>} : memref<64xf32, #tpu.memory_space<vmem>>, vector<16xf32>,
    %swap3A_18 = arith.constant 32 : index
    %swap3A_19 = tpu.vector_load %arg9[%swap3A_18] {strides = array<i32>} : memref<64xf32, #tpu.memory_space<vmem>>, vector<16xf32>,
    tpu.vector_store %arg9[%swap3A_18], %broadcast_in_dim3A_14 {strides = array<i32>} : memref<64xf32, #tpu.memory_space<vmem>>, vector<16xf32>,
    %swap3A_20 = arith.constant 48 : index
    %swap3A_21 = tpu.vector_load %arg9[%swap3A_20] {strides = array<i32>} : memref<64xf32, #tpu.memory_space<vmem>>, vector<16xf32>,
    tpu.vector_store %arg9[%swap3A_20], %broadcast_in_dim3A_14 {strides = array<i32>} : memref<64xf32, #tpu.memory_space<vmem>>, vector<16xf32>,
    %scan3A = arith.constant 0 : i32
    %scan3A_22 = arith.constant 0 : i32
    %scan3A_23 = arith.constant 512 : i32
    %scan3A_24 = arith.addi %scan3A_22, %scan3A_23 : i32
    %scan3A_25 = arith.constant 1 : i32
    scf.for %scan3A_27 = %scan3A_22 to %scan3A_24 step %scan3A_25  : i32 {
      %get3A = arith.index_cast %scan3A_27 : i32 to index
      %get3A_28 = arith.constant 0 : index
      %get3A_29 = tpu.vector_load %arg6[%get3A, %get3A_28] {strides = array<i32>} : memref<512x64xf32, #tpu.memory_space<vmem>>, vector<16xf32>,
      %add3A_30 = arith.constant 0 : i32
      %add3A_31 = vector.broadcast %add3A_30 : i32 to vector<16xi32>
      %add3A_32 = arith.addi %iota3A, %add3A_31 : vector<16xi32>
      %masked_sort3A = arith.constant dense<true> : vector<16xi1>
      %masked_sort3A_33, %masked_sort3A_34, %masked_sort3A_35 = tpu.sort %get3A_29, %add3A_32 masked %masked_sort3A {descending = true} : (vector<16xf32>, vector<16xi32>, vector<16xi1>) -> (vector<16xi1>, vector<16xf32>, vector<16xi32>)
      %get3A_36 = arith.index_cast %scan3A_27 : i32 to index
      %get3A_37 = arith.constant 16 : index
      %get3A_38 = tpu.vector_load %arg6[%get3A_36, %get3A_37] {strides = array<i32>} : memref<512x64xf32, #tpu.memory_space<vmem>>, vector<16xf32>,
      %add3A_39 = arith.constant 16 : i32
      %add3A_40 = vector.broadcast %add3A_39 : i32 to vector<16xi32>
      %add3A_41 = arith.addi %iota3A, %add3A_40 : vector<16xi32>
      %masked_sort3A_42 = arith.constant dense<true> : vector<16xi1>
      %masked_sort3A_43, %masked_sort3A_44, %masked_sort3A_45 = tpu.sort %get3A_38, %add3A_41 masked %masked_sort3A_42 {descending = true} : (vector<16xf32>, vector<16xi32>, vector<16xi1>) -> (vector<16xi1>, vector<16xf32>, vector<16xi32>)
      %get3A_46 = arith.index_cast %scan3A_27 : i32 to index
      %get3A_47 = arith.constant 32 : index
      %get3A_48 = tpu.vector_load %arg6[%get3A_46, %get3A_47] {strides = array<i32>} : memref<512x64xf32, #tpu.memory_space<vmem>>, vector<16xf32>,
      %add3A_49 = arith.constant 32 : i32
      %add3A_50 = vector.broadcast %add3A_49 : i32 to vector<16xi32>
      %add3A_51 = arith.addi %iota3A, %add3A_50 : vector<16xi32>
      %masked_sort3A_52 = arith.constant dense<true> : vector<16xi1>
      %masked_sort3A_53, %masked_sort3A_54, %masked_sort3A_55 = tpu.sort %get3A_48, %add3A_51 masked %masked_sort3A_52 {descending = true} : (vector<16xf32>, vector<16xi32>, vector<16xi1>) -> (vector<16xi1>, vector<16xf32>, vector<16xi32>)
      %get3A_56 = arith.index_cast %scan3A_27 : i32 to index
      %get3A_57 = arith.constant 48 : index
      %get3A_58 = tpu.vector_load %arg6[%get3A_56, %get3A_57] {strides = array<i32>} : memref<512x64xf32, #tpu.memory_space<vmem>>, vector<16xf32>,
      %add3A_59 = arith.constant 48 : i32
      %add3A_60 = vector.broadcast %add3A_59 : i32 to vector<16xi32>
      %add3A_61 = arith.addi %iota3A, %add3A_60 : vector<16xi32>
      %masked_sort3A_62 = arith.constant dense<true> : vector<16xi1>
      %masked_sort3A_63, %masked_sort3A_64, %masked_sort3A_65 = tpu.sort %get3A_58, %add3A_61 masked %masked_sort3A_62 {descending = true} : (vector<16xf32>, vector<16xi32>, vector<16xi1>) -> (vector<16xi1>, vector<16xf32>, vector<16xi32>)
      %rev3A = arith.constant 15 : i32
      %rev3A_66 = vector.broadcast %rev3A : i32 to vector<16xi32>
      %rev3A_67 = tpu.iota {dimensions = array<i32: 0>} : vector<16xi32>
      %rev3A_68 = arith.subi %rev3A_66, %rev3A_67 : vector<16xi32>
      %rev3A_69 = tpu.dynamic_gather %masked_sort3A_44[%rev3A_68] in [0] : vector<16xf32>, vector<16xi32> -> vector<16xf32>
      %rev3A_70 = arith.constant 15 : i32
      %rev3A_71 = vector.broadcast %rev3A_70 : i32 to vector<16xi32>
      %rev3A_72 = tpu.iota {dimensions = array<i32: 0>} : vector<16xi32>
      %rev3A_73 = arith.subi %rev3A_71, %rev3A_72 : vector<16xi32>
      %rev3A_74 = tpu.dynamic_gather %masked_sort3A_45[%rev3A_73] in [0] : vector<16xi32>, vector<16xi32> -> vector<16xi32>
      %ge3A = arith.cmpf oge, %masked_sort3A_34, %rev3A_69 : vector<16xf32>
      %select_n3A_75 = arith.select %ge3A, %masked_sort3A_34, %rev3A_69 : vector<16xi1>, vector<16xf32>
      %select_n3A_76 = arith.select %ge3A, %masked_sort3A_35, %rev3A_74 : vector<16xi1>, vector<16xi32>
      %masked_sort3A_77 = arith.constant dense<true> : vector<16xi1>
      %masked_sort3A_78, %masked_sort3A_79, %masked_sort3A_80 = tpu.sort %select_n3A_75, %select_n3A_76 masked %masked_sort3A_77 {descending = true} : (vector<16xf32>, vector<16xi32>, vector<16xi1>) -> (vector<16xi1>, vector<16xf32>, vector<16xi32>)
      %rev3A_81 = arith.constant 15 : i32
      %rev3A_82 = vector.broadcast %rev3A_81 : i32 to vector<16xi32>
      %rev3A_83 = tpu.iota {dimensions = array<i32: 0>} : vector<16xi32>
      %rev3A_84 = arith.subi %rev3A_82, %rev3A_83 : vector<16xi32>
      %rev3A_85 = tpu.dynamic_gather %masked_sort3A_64[%rev3A_84] in [0] : vector<16xf32>, vector<16xi32> -> vector<16xf32>
      %rev3A_86 = arith.constant 15 : i32
      %rev3A_87 = vector.broadcast %rev3A_86 : i32 to vector<16xi32>
      %rev3A_88 = tpu.iota {dimensions = array<i32: 0>} : vector<16xi32>
      %rev3A_89 = arith.subi %rev3A_87, %rev3A_88 : vector<16xi32>
      %rev3A_90 = tpu.dynamic_gather %masked_sort3A_65[%rev3A_89] in [0] : vector<16xi32>, vector<16xi32> -> vector<16xi32>
      %ge3A_91 = arith.cmpf oge, %masked_sort3A_54, %rev3A_85 : vector<16xf32>
      %select_n3A_92 = arith.select %ge3A_91, %masked_sort3A_54, %rev3A_85 : vector<16xi1>, vector<16xf32>
      %select_n3A_93 = arith.select %ge3A_91, %masked_sort3A_55, %rev3A_90 : vector<16xi1>, vector<16xi32>
      %masked_sort3A_94 = arith.constant dense<true> : vector<16xi1>
      %masked_sort3A_95, %masked_sort3A_96, %masked_sort3A_97 = tpu.sort %select_n3A_92, %select_n3A_93 masked %masked_sort3A_94 {descending = true} : (vector<16xf32>, vector<16xi32>, vector<16xi1>) -> (vector<16xi1>, vector<16xf32>, vector<16xi32>)
      %rev3A_98 = arith.constant 15 : i32
      %rev3A_99 = vector.broadcast %rev3A_98 : i32 to vector<16xi32>
      %rev3A_100 = tpu.iota {dimensions = array<i32: 0>} : vector<16xi32>
      %rev3A_101 = arith.subi %rev3A_99, %rev3A_100 : vector<16xi32>
      %rev3A_102 = tpu.dynamic_gather %masked_sort3A_96[%rev3A_101] in [0] : vector<16xf32>, vector<16xi32> -> vector<16xf32>
      %rev3A_103 = arith.constant 15 : i32
      %rev3A_104 = vector.broadcast %rev3A_103 : i32 to vector<16xi32>
      %rev3A_105 = tpu.iota {dimensions = array<i32: 0>} : vector<16xi32>
      %rev3A_106 = arith.subi %rev3A_104, %rev3A_105 : vector<16xi32>
      %rev3A_107 = tpu.dynamic_gather %masked_sort3A_97[%rev3A_106] in [0] : vector<16xi32>, vector<16xi32> -> vector<16xi32>
      %ge3A_108 = arith.cmpf oge, %masked_sort3A_79, %rev3A_102 : vector<16xf32>
      %select_n3A_109 = arith.select %ge3A_108, %masked_sort3A_79, %rev3A_102 : vector<16xi1>, vector<16xf32>
      %select_n3A_110 = arith.select %ge3A_108, %masked_sort3A_80, %rev3A_107 : vector<16xi1>, vector<16xi32>
      %masked_sort3A_111 = arith.constant dense<true> : vector<16xi1>
      %masked_sort3A_112, %masked_sort3A_113, %masked_sort3A_114 = tpu.sort %select_n3A_109, %select_n3A_110 masked %masked_sort3A_111 {descending = true} : (vector<16xf32>, vector<16xi32>, vector<16xi1>) -> (vector<16xi1>, vector<16xf32>, vector<16xi32>)
      %reduce_max3A = arith.constant true
      %reduce_max3A_115 = vector.broadcast %reduce_max3A : i1 to vector<16xi1>
      %reduce_max3A_116 = tpu.scan <max>, %masked_sort3A_113 masked %reduce_max3A_115 : vector<16xf32>, vector<16xi1> -> vector<16xf32>
      %reduce_max3A_117 = vector.extract %reduce_max3A_116[15] : f32 from vector<16xf32>
      %sub3A = vector.broadcast %reduce_max3A_117 : f32 to vector<16xf32>
      %sub3A_118 = arith.subf %masked_sort3A_113, %sub3A : vector<16xf32>
      %exp3A = math.exp %sub3A_118 : vector<16xf32>
      %jit3A_119 = arith.constant 0.000000e+00 : f32
      %broadcast_in_dim3A_120 = vector.broadcast %jit3A_119 : f32 to vector<16xf32>
      %select_n3A_121 = arith.select %lt3A_10, %exp3A, %broadcast_in_dim3A_120 : vector<16xi1>, vector<16xf32>
      %reduce_sum3A = arith.constant true
      %reduce_sum3A_122 = vector.broadcast %reduce_sum3A : i1 to vector<16xi1>
      %reduce_sum3A_123 = tpu.scan <sum>, %select_n3A_121 masked %reduce_sum3A_122 : vector<16xf32>, vector<16xi1> -> vector<16xf32>
      %reduce_sum3A_124 = vector.extract %reduce_sum3A_123[15] : f32 from vector<16xf32>
      %div3A = vector.broadcast %reduce_sum3A_124 : f32 to vector<16xf32>
      %div3A_125 = arith.divf %select_n3A_121, %div3A : vector<16xf32>
      %swap3A_126 = arith.index_cast %scan3A_27 : i32 to index
      %swap3A_127 = arith.constant 0 : index
      %swap3A_128 = tpu.vector_load %arg7[%swap3A_126, %swap3A_127] {strides = array<i32>} : memref<512x16xi32, #tpu.memory_space<vmem>>, vector<16xi32>,
      tpu.vector_store %arg7[%swap3A_126, %swap3A_127], %masked_sort3A_114 {strides = array<i32>} : memref<512x16xi32, #tpu.memory_space<vmem>>, vector<16xi32>,
      %swap3A_129 = arith.index_cast %scan3A_27 : i32 to index
      %swap3A_130 = arith.constant 0 : index
      %swap3A_131 = tpu.vector_load %arg8[%swap3A_129, %swap3A_130] {strides = array<i32>} : memref<512x16xf32, #tpu.memory_space<vmem>>, vector<16xf32>,
      tpu.vector_store %arg8[%swap3A_129, %swap3A_130], %div3A_125 {strides = array<i32>} : memref<512x16xf32, #tpu.memory_space<vmem>>, vector<16xf32>,
      tpu.vector_store_idx %arg9[%masked_sort3A_114], %select_n3A masked %lt3A_10 {add = true} : memref<64xf32, #tpu.memory_space<vmem>>[vector<16xi32>], vector<16xf32>, vector<16xi1>
    }
    %scan3A_26 = arith.constant 512 : i32
    "tpu.region"() ({
      %run_scoped3A = tpu.sem_alloc : memref<!tpu.dma_semaphore, #tpu.memory_space<semaphore_mem>>
      %dma_start3A_27 = arith.constant 0 : i32
      %dma_start3A_28 = tpu.memref_slice %arg3[%mul3A_2, %dma_start3A_27] : memref<16384x16xi32, #tpu.memory_space<hbm>> -> memref<512x16xi32, #tpu.memory_space<hbm>>
      %dma_start3A_29 = arith.constant 0 : i32
      %dma_start3A_30 = tpu.memref_slice %arg3[%mul3A_2, %dma_start3A_29] : memref<16384x16xi32, #tpu.memory_space<hbm>> -> memref<512x16xi32, #tpu.memory_space<hbm>>
      tpu.enqueue_dma source(%arg7 : memref<512x16xi32, #tpu.memory_space<vmem>>) target(%dma_start3A_30 : memref<512x16xi32, #tpu.memory_space<hbm>>) target_semaphore(%run_scoped3A : memref<!tpu.dma_semaphore, #tpu.memory_space<semaphore_mem>>)
      %dma_wait3A_31 = arith.constant 0 : i32
      %dma_wait3A_32 = tpu.memref_slice %arg3[%mul3A_2, %dma_wait3A_31] : memref<16384x16xi32, #tpu.memory_space<hbm>> -> memref<512x16xi32, #tpu.memory_space<hbm>>
      %dma_wait3A_33 = arith.constant 0 : i32
      %dma_wait3A_34 = tpu.memref_slice %arg3[%mul3A_2, %dma_wait3A_33] : memref<16384x16xi32, #tpu.memory_space<hbm>> -> memref<512x16xi32, #tpu.memory_space<hbm>>
      tpu.wait_dma2 semaphore(%run_scoped3A : memref<!tpu.dma_semaphore, #tpu.memory_space<semaphore_mem>>) src(%arg7 : memref<512x16xi32, #tpu.memory_space<vmem>>) dst(%dma_wait3A_34 : memref<512x16xi32, #tpu.memory_space<hbm>>)
      tpu.yield
    }) : () -> ()
    "tpu.region"() ({
      %run_scoped3A = tpu.sem_alloc : memref<!tpu.dma_semaphore, #tpu.memory_space<semaphore_mem>>
      %dma_start3A_27 = arith.constant 0 : i32
      %dma_start3A_28 = tpu.memref_slice %arg4[%mul3A_2, %dma_start3A_27] : memref<16384x16xf32, #tpu.memory_space<hbm>> -> memref<512x16xf32, #tpu.memory_space<hbm>>
      %dma_start3A_29 = arith.constant 0 : i32
      %dma_start3A_30 = tpu.memref_slice %arg4[%mul3A_2, %dma_start3A_29] : memref<16384x16xf32, #tpu.memory_space<hbm>> -> memref<512x16xf32, #tpu.memory_space<hbm>>
      tpu.enqueue_dma source(%arg8 : memref<512x16xf32, #tpu.memory_space<vmem>>) target(%dma_start3A_30 : memref<512x16xf32, #tpu.memory_space<hbm>>) target_semaphore(%run_scoped3A : memref<!tpu.dma_semaphore, #tpu.memory_space<semaphore_mem>>)
      %dma_wait3A_31 = arith.constant 0 : i32
      %dma_wait3A_32 = tpu.memref_slice %arg4[%mul3A_2, %dma_wait3A_31] : memref<16384x16xf32, #tpu.memory_space<hbm>> -> memref<512x16xf32, #tpu.memory_space<hbm>>
      %dma_wait3A_33 = arith.constant 0 : i32
      %dma_wait3A_34 = tpu.memref_slice %arg4[%mul3A_2, %dma_wait3A_33] : memref<16384x16xf32, #tpu.memory_space<hbm>> -> memref<512x16xf32, #tpu.memory_space<hbm>>
      tpu.wait_dma2 semaphore(%run_scoped3A : memref<!tpu.dma_semaphore, #tpu.memory_space<semaphore_mem>>) src(%arg8 : memref<512x16xf32, #tpu.memory_space<vmem>>) dst(%dma_wait3A_34 : memref<512x16xf32, #tpu.memory_space<hbm>>)
      tpu.yield
    }) : () -> ()
    "tpu.region"() ({
      %run_scoped3A = tpu.sem_alloc : memref<!tpu.dma_semaphore, #tpu.memory_space<semaphore_mem>>
      %dma_start3A_27 = arith.constant 0 : i32
      %dma_start3A_28 = tpu.memref_slice %arg5[%add3A, %dma_start3A_27] : memref<32x64xf32, #tpu.memory_space<hbm>> -> memref<1x64xf32, #tpu.memory_space<hbm>>
      %dma_start3A_29 = tpu.memref_squeeze %dma_start3A_28 : memref<1x64xf32, #tpu.memory_space<hbm>> -> memref<64xf32, #tpu.memory_space<hbm>>
      %dma_start3A_30 = arith.constant 0 : i32
      %dma_start3A_31 = tpu.memref_slice %arg5[%add3A, %dma_start3A_30] : memref<32x64xf32, #tpu.memory_space<hbm>> -> memref<1x64xf32, #tpu.memory_space<hbm>>
      %dma_start3A_32 = tpu.memref_squeeze %dma_start3A_31 : memref<1x64xf32, #tpu.memory_space<hbm>> -> memref<64xf32, #tpu.memory_space<hbm>>
      tpu.enqueue_dma source(%arg9 : memref<64xf32, #tpu.memory_space<vmem>>) target(%dma_start3A_32 : memref<64xf32, #tpu.memory_space<hbm>>) target_semaphore(%run_scoped3A : memref<!tpu.dma_semaphore, #tpu.memory_space<semaphore_mem>>)
      %dma_wait3A_33 = arith.constant 0 : i32
      %dma_wait3A_34 = tpu.memref_slice %arg5[%add3A, %dma_wait3A_33] : memref<32x64xf32, #tpu.memory_space<hbm>> -> memref<1x64xf32, #tpu.memory_space<hbm>>
      %dma_wait3A_35 = tpu.memref_squeeze %dma_wait3A_34 : memref<1x64xf32, #tpu.memory_space<hbm>> -> memref<64xf32, #tpu.memory_space<hbm>>
      %dma_wait3A_36 = arith.constant 0 : i32
      %dma_wait3A_37 = tpu.memref_slice %arg5[%add3A, %dma_wait3A_36] : memref<32x64xf32, #tpu.memory_space<hbm>> -> memref<1x64xf32, #tpu.memory_space<hbm>>
      %dma_wait3A_38 = tpu.memref_squeeze %dma_wait3A_37 : memref<1x64xf32, #tpu.memory_space<hbm>> -> memref<64xf32, #tpu.memory_space<hbm>>
      tpu.wait_dma2 semaphore(%run_scoped3A : memref<!tpu.dma_semaphore, #tpu.memory_space<semaphore_mem>>) src(%arg9 : memref<64xf32, #tpu.memory_space<vmem>>) dst(%dma_wait3A_38 : memref<64xf32, #tpu.memory_space<hbm>>)
      tpu.yield
    }) : () -> ()
    return
  }
}

module attributes {stable_mosaic.version = 14 : i64} {
  func.func @_logits_kernel(%arg0: i32, %arg1: memref<1024x4096xf32, #tpu.memory_space<vmem>>, %arg2: memref<4096x64xf32, #tpu.memory_space<vmem>>, %arg3: memref<64xf32, #tpu.memory_space<vmem>>, %arg4: memref<1024x64xf32, #tpu.memory_space<vmem>>) attributes {dimension_semantics = [#tpu.dimension_semantics<arbitrary>], iteration_bounds = array<i64: 16>, scalar_prefetch = 0 : i64, scratch_operands = 0 : i64, tpu.core_type = #tpu.core_type<tc>, window_params = [{transform_indices = @transform_0, window_bounds = array<i64: 1024, 4096>}, {pipeline_mode = #tpu.pipeline_mode<synchronous>, transform_indices = @transform_1, window_bounds = array<i64: 4096, 64>}, {pipeline_mode = #tpu.pipeline_mode<synchronous>, transform_indices = @transform_2, window_bounds = array<i64: 64>}, {transform_indices = @transform_3, window_bounds = array<i64: 1024, 64>}]} {
    %get3A = arith.constant 0 : index
    %get3A_0 = arith.constant 0 : index
    %get3A_1 = vector.load %arg1[%get3A, %get3A_0] : memref<1024x4096xf32, #tpu.memory_space<vmem>>, vector<1024x4096xf32>
    %get3A_2 = arith.constant 0 : index
    %get3A_3 = arith.constant 0 : index
    %get3A_4 = vector.load %arg2[%get3A_2, %get3A_3] : memref<4096x64xf32, #tpu.memory_space<vmem>>, vector<4096x64xf32>
    %dot_general3A = arith.constant dense<0.000000e+00> : vector<1024x64xf32>
    %dot_general3A_5 = tpu.matmul %get3A_1, %get3A_4, %dot_general3A {dimension_numbers = #tpu.dot_dimension_numbers<[1], [0], [0], [1], [0, 0, 1, 1], [], []>, transpose_lhs_hint = false} : vector<1024x4096xf32>, vector<4096x64xf32>, vector<1024x64xf32> -> vector<1024x64xf32>
    %get3A_6 = arith.constant 0 : index
    %get3A_7 = vector.load %arg3[%get3A_6] : memref<64xf32, #tpu.memory_space<vmem>>, vector<64xf32>
    %broadcast_in_dim3A = vector.shape_cast %get3A_7 : vector<64xf32> to vector<1x64xf32>
    %add3A = vector.broadcast %broadcast_in_dim3A : vector<1x64xf32> to vector<1024x64xf32>
    %add3A_8 = arith.addf %dot_general3A_5, %add3A : vector<1024x64xf32>
    %swap3A = arith.constant 0 : index
    %swap3A_9 = arith.constant 0 : index
    %swap3A_10 = vector.load %arg4[%swap3A, %swap3A_9] : memref<1024x64xf32, #tpu.memory_space<vmem>>, vector<1024x64xf32>
    tpu.vector_store %arg4[%swap3A, %swap3A_9], %add3A_8 {strides = array<i32>} : memref<1024x64xf32, #tpu.memory_space<vmem>>, vector<1024x64xf32>,
    return
  }
  func.func @transform_0(%arg0: i32) -> (i32, i32) {
    %c0_i32 = arith.constant 0 : i32
    %c0_i32_0 = arith.constant 0 : i32
    return %arg0, %c0_i32 : i32, i32
  }
  func.func @transform_1(%arg0: i32) -> (i32, i32) {
    %c0_i32 = arith.constant 0 : i32
    %c0_i32_0 = arith.constant 0 : i32
    %c0_i32_1 = arith.constant 0 : i32
    return %c0_i32, %c0_i32_0 : i32, i32
  }
  func.func @transform_2(%arg0: i32) -> i32 {
    %c0_i32 = arith.constant 0 : i32
    %c0_i32_0 = arith.constant 0 : i32
    return %c0_i32 : i32
  }
  func.func @transform_3(%arg0: i32) -> (i32, i32) {
    %c0_i32 = arith.constant 0 : i32
    %c0_i32_0 = arith.constant 0 : i32
    return %arg0, %c0_i32 : i32, i32
  }
}

</mosaic_0001>

<sc_bundles>
// kernel: kernel.4.cloned.1.call-start
scs
__scs_entry_jumppad:
0x0: {  	(pc) =	sbr.rel $0x88, $3  }
0x1: {  	(tag) =	ssettag $0x0;
	lr =	simm.s32 $0x1  }
0x2: {  	[smem:$0x3F9E] =	sst lr;
	_ =	strace $0xD0000000  }
0x3: {  	_ = 	snop  }
0x4: {  	_ = 	snop  }
0x5: {  	_ = 	snop  }
0x6: {  	_ = 	snop  }
0x7: {  	_ = 	snop  }
__scs_overlays_trampoline_lowered:
0x8: {  	[smem:$0x3FAD] =	sst s0  }
0x9: {  	[smem:$0x3FAE] =	sst s1  }
0xa: {  	[smem:$0x3FAF] =	sst s2  }
0xb: {  	[smem:$0x3FB0] =	sst s3  }
0xc: {  	[smem:$0x3FB1] =	sst s4  }
0xd: {  	[smem:$0x3FB2] =	sst s5  }
0xe: {  	[smem:$0x3FB3] =	sst s6  }
0xf: {  	[smem:$0x3FB4] =	sst s7  }
0x10: {  	[smem:$0x3FB5] =	sst s8  }
0x11: {  	[smem:$0x3FB6] =	sst s9;
	s0 =	simm.s32 @!p0 $0x0  }
0x12: {  	s1 =	sld [smem:$0x3F9C];
	s0 =	simm.s32 @p0 $0x1  }
0x13: {  	[smem:$0x3FB7] =	sst s0;
	s0 =	simm.s32 @!p1 $0x0  }
0x14: {  	s2 =	sld [smem:$0x3F9B];
	s0 =	simm.s32 @p1 $0x1  }
0x15: {  	[smem:$0x3FB8] =	sst s0;
	s0 =	simm.s32 @!p2 $0x0  }
0x16: {  	s3 =	sld [smem:$0x3FDB];
	s0 =	simm.s32 @p2 $0x1  }
0x17: {  	s4 =	simm.s32 $0x1BF5;
	[smem:$0x3FBA] =	sst s0  }
0x18: {  	s0 =	sld [smem:$0x3F9D];
	_ =	swait.ge [sflag:s4], $0x0  }
0x19: {  	s7 =	sld [smem:$0x3F9E]  }
0x1a: {  	s8 =	sadd.s32 $0xFFFFE003, lr  }
0x1b: {  	s9 =	sadd.s32 $0xFFFFFEF7, lr;
	s5 =	simm.s32 $0xFFFFFFFF;
	p2 =	slt.u32 s8, $0xFFFFF086  }
0x1c: {  	p1 =	slt.u32 s9, $0xF7A;
	s5 =	simm.s32 @!p2 $0x0  }
0x1d: {  	s5 =	simm.s32 @p1 $0x1;
	p0 =	seq.s32 s7, s2  }
0x1e: {  	s7 =	smul.u32 @!p0 $0xF7A, s2;
	p2 =	seq.s32 @!p0 s5, $0x0  }
0x1f: {  	s9 =	smul.u32 $0xF7A, s1;
	s8 =	simm.s32 @!p0 $0x1BF5;
	p2 =	por !p2, p0  }
0x20: {  	[sflag:s8] =	ssyncset.s32 @!p0 $0xFFFFF086;
	s6 =	sadd.s32 @!p0 s3, s7;
	s7 =	simm.s32 @!p0 $0x108  }
0x21: {  	s3 =	sadd.s32 s3, s9;
	s6 =	sadd.s32 @!p0 $0x88, s6;
	s7 =	simm.s32 @p2 $0x1082  }
0x22: {  	[simem:s7], [sflag:s8] =	dma.local @!p0 [hbm:s6], $0xF7A  }
0x23: {  	s9 =	sor.u32 $0xD0000000, s2;
	s6 =	simm.s32 $0x108;
	_ =	swait.ge @!p0 [sflag:s8], $0x0  }
0x24: {  	s3 =	sadd.s32 $0x88, s3;
	s6 =	simm.s32 @!p1 $0x1082;
	[sflag:s4] =	ssyncset.s32 $0xFFFFF086  }
0x25: {  	[simem:s6], [sflag:s4] =	dma.local [hbm:s3], $0xF7A  }
0x26: {  	[smem:$0x3F9E] =	sst s1;
	(tag) =	ssettag s2;
	_ =	strace s9  }
0x27: {  	s1 =	sld [smem:$0x3FAE]  }
0x28: {  	s2 =	sld [smem:$0x3FAF]  }
0x29: {  	s4 =	sld [smem:$0x3FB1]  }
0x2a: {  	p0 =	seq.s32 s5, $0x0;
	s5 =	sld [smem:$0x3FB2]  }
0x2b: {  	s6 =	sld [smem:$0x3FB3]  }
0x2c: {  	s7 =	sld [smem:$0x3FB4]  }
0x2d: {  	s3 =	simm.s32 $0x108;
	s8 =	sld [smem:$0x3FB5]  }
0x2e: {  	s3 =	simm.s32 @!p0 $0x1082;
	s9 =	sld [smem:$0x3FB6]  }
0x2f: {  	lr =	sadd.s32 s0, s3;
	s0 =	sld [smem:$0x3FAD]  }
0x30: {  	s3 =	sld [smem:$0x3FB0]  }
0x31: {  	[smem:$0x3FB9] =	sst s10  }
0x32: {  	s10 =	sld [smem:$0x3FB7];
	_ =	sdelay $0x3  }
0x33: {  	p0 =	seq.s32 s10, $0x1;
	s10 =	sld [smem:$0x3FB9];
	_ =	sdelay $0x3  }
0x34: {  	[smem:$0x3FB9] =	sst s10  }
0x35: {  	s10 =	sld [smem:$0x3FB8];
	_ =	sdelay $0x3  }
0x36: {  	p1 =	seq.s32 s10, $0x1;
	s10 =	sld [smem:$0x3FB9];
	_ =	sdelay $0x3  }
0x37: {  	[smem:$0x3FB9] =	sst s10  }
0x38: {  	s10 =	sld [smem:$0x3FBA]  }
0x39: {  	_ = 	snop;
	(pc) =	sbr.ind lr, $3  }
0x3a: {  	_ = 	snop  }
0x3b: {  	_ = 	snop  }
0x3c: {  	p2 =	seq.s32 s10, $0x1;
	s10 =	sld [smem:$0x3FB9]  }
0x3d: {  	_ =	shalt  }
0x3e: {  	_ =	shalt  }
0x3f: {  	_ =	shalt  }
0x40: {  	_ =	shalt  }
0x41: {  	_ =	shalt  }
0x42: {  	_ =	shalt  }
0x43: {  	_ =	shalt  }
0x44: {  	_ =	shalt  }
0x45: {  	_ =	shalt  }
0x46: {  	_ =	shalt  }
0x47: {  	_ =	shalt  }
0x48: {  	_ =	shalt  }
0x49: {  	_ =	shalt  }
0x4a: {  	_ =	shalt  }
0x4b: {  	_ =	shalt  }
0x4c: {  	_ =	shalt  }
0x4d: {  	_ =	shalt  }
0x4e: {  	_ =	shalt  }
0x4f: {  	_ =	shalt  }
0x50: {  	_ =	shalt  }
0x51: {  	_ =	shalt  }
0x52: {  	_ =	shalt  }
0x53: {  	_ =	shalt  }
0x54: {  	_ =	shalt  }
0x55: {  	_ =	shalt  }
0x56: {  	_ =	shalt  }
0x57: {  	_ =	shalt  }
0x58: {  	_ =	shalt  }
0x59: {  	_ =	shalt  }
0x5a: {  	_ =	shalt  }
0x5b: {  	_ =	shalt  }
0x5c: {  	_ =	shalt  }
0x5d: {  	_ =	shalt  }
0x5e: {  	_ =	shalt  }
0x5f: {  	_ =	shalt  }
0x60: {  	_ =	shalt  }
0x61: {  	_ =	shalt  }
0x62: {  	_ =	shalt  }
0x63: {  	_ =	shalt  }
0x64: {  	_ =	shalt  }
0x65: {  	_ =	shalt  }
0x66: {  	_ =	shalt  }
0x67: {  	_ =	shalt  }
0x68: {  	_ =	shalt  }
0x69: {  	_ =	shalt  }
0x6a: {  	_ =	shalt  }
0x6b: {  	_ =	shalt  }
0x6c: {  	_ =	shalt  }
0x6d: {  	_ =	shalt  }
0x6e: {  	_ =	shalt  }
0x6f: {  	_ =	shalt  }
0x70: {  	_ =	shalt  }
0x71: {  	_ =	shalt  }
0x72: {  	_ =	shalt  }
0x73: {  	_ =	shalt  }
0x74: {  	_ =	shalt  }
0x75: {  	_ =	shalt  }
0x76: {  	_ =	shalt  }
0x77: {  	_ =	shalt  }
0x78: {  	_ =	shalt  }
0x79: {  	_ =	shalt  }
0x7a: {  	_ =	shalt  }
0x7b: {  	_ =	shalt  }
0x7c: {  	_ =	shalt  }
0x7d: {  	_ =	shalt  }
0x7e: {  	_ =	shalt  }
0x7f: {  	_ =	shalt  }
0x80: {  	_ =	shalt  }
0x81: {  	_ =	shalt  }
0x82: {  	_ =	shalt  }
0x83: {  	_ =	shalt  }
0x84: {  	_ =	shalt  }
0x85: {  	_ =	shalt  }
0x86: {  	_ =	shalt  }
0x87: {  	_ =	shalt  }
.Lfunc_end0:
.L_simem_size_0:
called_computation_lowered:
.L_overlay_start_0:
0x88: {  	s2 =	sld [smem:$0x3FD9]  }
0x89: {  	s3 =	sld [smem:$0x3FFE];
	_ =	sdelay $0x1  }
0x8a: {  	s1 =	srdreg.scid  }
0x8b: {  	s0 =	sand.u32 $0x1, s1  }
0x8c: {  	s14 =	sshll.u32 s0, $0xA;
	s2 =	sadd.s32 s3, s2  }
0x8d: {  	s2 =	sadd.s32 s2, s14  }
0x8e: {  	[smem:$0x3FC5] =	sst s2  }
0x8f: {  	_ = 	snop  }
0x90: {  	s2 =	sld [smem:$0x3FD0];
	_ =	sdelay $0x2  }
0x91: {  	s15 =	simm.s32 $0xA;
	s4 =	simm.s32 $0x10  }
0x92: {  	[smem:s4], [sflag:s15] =	dma.local [hbm:s2], $0x1  }
0x93: {  	_ =	swait.eq [sflag:s15], $0x1  }
0x94: {  	[sflag:s15] =	ssyncset.done $0x0  }
0x95: {  	[sflag:s15] =	ssyncadd.s32 $0xFFFFFFFF  }
0x96: {  	s16 =	sld [smem:$0x11];
	(tm) =	ssettm $0x1  }
0x97: {  	s17 =	sld [smem:$0x3FFB];
	_ =	sdelay $0x3  }
0x98: {  	_ =	strace s17  }
0x99: {  	s3 =	sld [smem:$0x3FFC];
	_ =	sdelay $0x3  }
0x9a: {  	_ =	strace s3  }
0x9b: {  	s3 =	sld [smem:$0x3FFD];
	_ =	sdelay $0x3  }
0x9c: {  	_ =	strace s3  }
0x9d: {  	_ =	strace $0x8FFFFFFF  }
0x9e: {  	s18 =	sld [smem:$0x3FDB];
	_ =	sdelay $0x1  }
0x9f: {  	s19 =	simm.s32 $_scs_section_size  }
0xa0: {  	s5 =	simm.s32 $_size__tile_overlayer_lowered;
	s6 =	simm.s32 $_tile_overlayer_lowered  }
0xa1: {  	s22 =	simm.s32 $0x1BFF;
	s21 =	sshll.u32 s6, $0x1;
	s3 =	sadd.s32 s19, s18  }
0xa2: {  	s7 =	simm.s32 $0x0;
	s20 =	sshll.u32 s5, $0x1;
	s5 =	sadd.s32 s21, s3  }
0xa3: {  	[timem:s7], [sflag:s22] =	dma.local [hbm:s5], s20  }
0xa4: {  	_ =	swait.ge [sflag:s22], s20  }
0xa5: {  	s4 =	ssub.s32 $0x0, s20;
	[sflag:s22] =	ssyncset.done $0x0  }
0xa6: {  	[sflag:s22] =	ssyncadd.s32 s4;
	_ =	sdelay $0x1  }
0xa7: {  	s23 =	simm.s32 $0x1B8B  }
0xa8: {  	_ =	swait.ge [sflag:s23], $0x1  }
0xa9: {  	[sflag:s23] =	ssyncset.done $0x0  }
0xaa: {  	s25 =	simm.s32 $0x1B8E;
	s24 =	sld [smem:$0x3FFE];
	[sflag:s23] =	ssyncadd.s32 $0xFFFFFFFF  }
0xab: {  	s26 =	simm.s32 $execute0_lowered;
	[smem:$0x3FD2] =	sst s25  }
0xac: {  	s5 =	sshll.u32 s26, $0x1;
	_ =	strace $0x80000046;
	[dreg:$0x1] =	wrdreg $0xFFFFFFFF  }
0xad: {  	s28 =	simm.s32 $_size_execute0_lowered;
	s3 =	sadd.s32 s3, s5;
	[dreg:$0x0] =	wrdreg $0x0  }
0xae: {  	s5 =	sshll.u32 s28, $0x1;
	[dreg:$0x2] =	wrdreg s3  }
0xaf: {  	[dreg:$0x3] =	wrdreg s5  }
0xb0: {  	[dreg:$0x4] =	wrdreg $0xC0  }
0xb1: {  	_ =	task [dreg:s7], $0x5FFFF  }
0xb2: {  	[dreg:$0x1] =	wrdreg $0xFFFFFFFF  }
0xb3: {  	[dreg:$0x0] =	wrdreg $0x60  }
0xb4: {  	[dreg:$0x2] =	wrdreg s24  }
0xb5: {  	[dreg:$0x3] =	wrdreg s16  }
0xb6: {  	[dreg:$0x4] =	wrdreg $0x9  }
0xb7: {  	_ =	task.clear_ibuf [dreg:s7], $0x5FFFF;
	_ =	strace $0x90000046  }
0xb8: {  	s29 =	simm.s32 $0x9;
	_ =	strace $0x80000048  }
0xb9: {  	_ =	swait.ge [sflag:s29], $0x1  }
0xba: {  	[sflag:s29] =	ssyncadd.s32 $0xFFFFFFFF  }
0xbb: {  	_ =	strace $0x90000048  }
0xbc: {  	_ =	sfence  }
0xbd: {  	s30 =	sld [smem:$0x0];
	_ =	sdelay $0x2  }
0xbe: {  	s31 =	sshll.u32 s1, $0xD;
	s1 =	sshrl.u32 s1, $0x2  }
0xbf: {  	s3 =	sand.u32 $0x4000, s31;
	s1 =	sadd.s32 s1, s30  }
0xc0: {  	s0 =	sor.u32 s3, s0;
	s1 =	sshll.u32 s1, $0x11  }
0xc1: {  	s0 =	sor.u32 s1, s0  }
0xc2: {  	s0 =	sadd.s32 $0x8F2B, s0  }
0xc3: {  	[sflag:s0] =	ssyncadd.remote.s32 $0x1  }
0xc4: {  	_ =	sfence.sel $0xFFFF  }
0xc5: {  	[dreg:$0x0] =	wrdreg $0xFFFFFFFF;
	(pc) =	sbr.abs _section_cstart, $3  }
0xc6: {  	[dreg:$0x1] =	wrdreg $0xFFFFFFFF  }
0xc7: {  	_ =	task.clear_ibuf [dreg:s7], $0x2FFFF;
	_ =	strace $0x9FFFFFFF  }
0xc8: {  	(tm) =	ssettm $0x7FFFFFFF  }
0xc9: {  	_ =	shalt  }
tec
execute0_lowered:
.L_overlay_start_1:
0x0: {  	(tag) =	ssettag $0x1  }
0x1: {  	s3 =	rddreg [dreg:$0x0]  }
0x2: {  	s6 =	rddreg [dreg:$0x1]  }
0x3: {  	s0 =	rddreg [dreg:$0x2]  }
0x4: {  	s2 =	simm.s32 $0x0;
	s4 =	srdreg.scid;
	s1 =	stileid.u32  }
0x5: {  	s10 =	simm.s32 $0x8000;
	s11 =	simm.s32 $0x2;
	s12 =	simm.s32 $0xA000  }
0x6: {  	[smem:$0x7FF] =	sst s2;
	s4 =	sand.u32 $0x1, s4;
	s5 =	sshll.u32 s1, $0x1  }
0x7: {  	s13 =	simm.s32 $0x0;
	_ =	strace $0x80000047;
	s5 =	sor.u32 s4, s5  }
0x8: {  	s4 =	ssub.s32 $0x2, s4;
	s7 =	sshll.u32 s5, $0xC;
	s8 =	sshll.u32 s5, $0xA  }
0x9: {  	v0 =	vlaneseq.u32;
	s9 =	sshrl.u32 s4, $0x1;
	s31 =	sshll.u32 s5, $0x3;
	s7 =	sadd.s32 s7, s3  }
0xa: {  	v1 =	vimm.f32 $0.0e+00;
	vm1 =	vcmask $0x1F00;
	v5 =	vmul.u32 $0xFFFFFFFF, v0;
	s8 =	sadd.s32 s8, s3;
	s9 =	ssub.s32 s4, s9;
	s6 =	sadd.s32 s6, s31  }
0xb: {  	vm0 =	vmmov $0xff;
	v2 =	vor.u32 $0x10, v0;
	v3 =	vor.u32 $0x20, v0;
	s3 =	sadd.s32 $0x200, s7;
	s4 =	sadd.s32 $0x28200, s8;
	s5 =	sadd.s32 $0x20200, s8  }
0xc: {  	v4 =	vor.u32 $0x30, v0;
	v6 =	vsel vm1, $0x3F800000, v1;
	v5 =	vadd.s32 $0xF, v5;
	s7 =	smax.u32 s9, $0x1;
	s8 =	simm.s32 $0x1;
	s9 =	simm.s32 $0xC000  }
.LBB2_1:
0xd: {  	[tilespmem:s2], [sflag:$0x1] =	stream.linear.gather [hbm4b:s3+s2], $0x8000, $0x38;
	[tilespmem:$0xC040] =	vst v63  }
0xe: {  	_ =	swait.ge [sflag:s8], $0x8000  }
0xf: {  	[sflag:s8] =	ssyncset.done $0x0  }
0x10: {  	[sflag:s8] =	ssyncadd.s32 $0xFFFF8000  }
0x11: {  	[tilespmem:$0xC000] =	vst v1  }
0x12: {  	[tilespmem:$0xC010] =	vst v1  }
0x13: {  	[tilespmem:$0xC020] =	vst v1  }
0x14: {  	s15 =	simm.s32 $0x20;
	[tilespmem:$0xC030] =	vst v1  }
0x15: {  	v7 =	vld [tilespmem:s15+$0x10]  }
0x16: {  	s16 =	simm.s32 $0x40;
	s14 =	simm.s32 $0x0;
	v8 =	vld [tilespmem:s15+$0x0]  }
.LBB2_2:
0x17: {  	p0 =	sne.s32 s16, $0x7FC0;
	v9 =	vld [tilespmem:s15+$0xFFFFFFF0];
	_ =	sdelay $0x1  }
0x18: {  	v10 =	vld [tilespmem:s15+$0xFFFFFFE0]  }
0x19: {  	(xrf1) =	vsort.dscd.msk.f32 $0xffff, v7, v4  }
0x1a: {  	(xrf1) =	vsort.dscd.msk.f32 $0xffff, v8, v3  }
0x1b: {  	(xrf1) =	vsort.dscd.msk.f32 $0xffff, v9, v2;
	_ =	sdelay $0x1  }
0x1c: {  	(xrf1) =	vsort.dscd.msk.f32 $0xffff, v10, v0;
	_ =	sdelay $0x9  }
0x1d: {  	v7, v8, _ =	vpop (xrf1)  }
0x1e: {  	v7 =	vperm.xlane v7, v5;
	v9, v10, _ =	vpop (xrf1)  }
0x1f: {  	v8 =	vperm.xlane v8, v5;
	v11, v12, _ =	vpop (xrf1)  }
0x20: {  	v11 =	vperm.xlane v11, v5;
	vm1 =	vge.f32 v9, v7  }
0x21: {  	v12 =	vperm.xlane v12, v5;
	v7 =	vsel vm1, v9, v7;
	v8 =	vsel vm1, v10, v8;
	v9, v10, _ =	vpop (xrf1)  }
0x22: {  	vm1 =	vge.f32 v9, v11;
	(xrf1) =	vsort.dscd.msk.f32 $0xffff, v7, v8  }
0x23: {  	v7 =	vsel vm1, v9, v11;
	v8 =	vsel vm1, v10, v12  }
0x24: {  	(xrf1) =	vsort.dscd.msk.f32 $0xffff, v7, v8;
	_ =	sdelay $0xb  }
0x25: {  	v7, v8, _ =	vpop (xrf1)  }
0x26: {  	v7 =	vperm.xlane v7, v5  }
0x27: {  	v8 =	vperm.xlane v8, v5;
	v9, v10, _ =	vpop (xrf1)  }
0x28: {  	vm1 =	vge.f32 v9, v7  }
0x29: {  	v7 =	vsel vm1, v9, v7;
	v8 =	vsel vm1, v10, v8  }
0x2a: {  	(xrf1) =	vsort.dscd.msk.f32 $0xffff, v7, v8;
	_ =	sdelay $0xd  }
0x2b: {  	s17 =	sshra.s32 s14, $0x2;
	s14 =	smov.u32 s16;
	v7, v8, _ =	vpop (xrf1)  }
0x2c: {  	[tilespmem:s17+$0x8000] =	vst v8;
	(xrf0) =	vmax.scan.msk.f32 $0xffff, v7;
	_ =	sdelay $0x5  }
0x2d: {  	v9, _, _ =	vpop (xrf0)  }
0x2e: {  	v9 =	vbroadcast v9, $0xF;
	_ =	sdelay $0x1  }
0x2f: {  	v7 =	vsub.f32 v7, v9;
	_ =	sdelay $0x1  }
0x30: {  	v7 =	vmul.f32 $1.442695020e+00, v7;
	_ =	sdelay $0x1  }
0x31: {  	(erf) = vpow2.f32 v7;
	_ =	sdelay $0x8  }
0x32: {  	v7 =	vpop (erf)  }
0x33: {  	v7 =	vnsel vm0, $0x0, v7  }
0x34: {  	(xrf2) =	vadd.scan.msk.f32 $0xffff, v7;
	_ =	sdelay $0x9  }
0x35: {  	v9, _, _ =	vpop (xrf2)  }
0x36: {  	v9 =	vbroadcast v9, $0xF;
	_ =	sdelay $0x1  }
0x37: {  	(erf) = vrcp.f32 v9;
	_ =	sdelay $0x8  }
0x38: {  	v9 =	vpop (erf)  }
0x39: {  	v7 =	vmul.f32 v9, v7  }
.Ltmp0:
0x3a: {  	(pc) =	sbr.rel @p0 .LBB2_2-.Ltmp0, $4  }
0x3b: {  	[tilespmem:s17+$0xA000] =	vst v7  }
0x3c: {  	s15 =	sadd.s32 $0x40, s15;
	[tilespmem:v8+s9+$0x0] =	vst.idx.add.f32.msk $0xff, v6  }
0x3d: {  	v7 =	vld [tilespmem:s15+$0x10]  }
0x3e: {  	s16 =	sadd.s32 $0x40, s16;
	v8 =	vld [tilespmem:s15+$0x0]  }
0x3f: {  	v9 =	vld [tilespmem:s15+$0xFFFFFFF0];
	_ =	sdelay $0x1  }
0x40: {  	v10 =	vld [tilespmem:s15+$0xFFFFFFE0]  }
0x41: {  	(xrf1) =	vsort.dscd.msk.f32 $0xffff, v7, v4  }
0x42: {  	(xrf1) =	vsort.dscd.msk.f32 $0xffff, v8, v3  }
0x43: {  	(xrf1) =	vsort.dscd.msk.f32 $0xffff, v9, v2;
	_ =	sdelay $0x1  }
0x44: {  	(xrf1) =	vsort.dscd.msk.f32 $0xffff, v10, v0;
	_ =	sdelay $0x9  }
0x45: {  	v7, v8, _ =	vpop (xrf1)  }
0x46: {  	v7 =	vperm.xlane v7, v5;
	v56, v57, _ =	vpop (xrf1)  }
0x47: {  	v8 =	vperm.xlane v8, v5;
	v11, v12, _ =	vpop (xrf1)  }
0x48: {  	v11 =	vperm.xlane v11, v5;
	vm1 =	vge.f32 v56, v7  }
0x49: {  	v12 =	vperm.xlane v12, v5;
	v58, v59, _ =	vpop (xrf1);
	v7 =	vsel vm1, v56, v7;
	v8 =	vsel vm1, v57, v8  }
0x4a: {  	vm1 =	vge.f32 v58, v11;
	(xrf1) =	vsort.dscd.msk.f32 $0xffff, v7, v8  }
0x4b: {  	v7 =	vsel vm1, v58, v11;
	v8 =	vsel vm1, v59, v12  }
0x4c: {  	(xrf1) =	vsort.dscd.msk.f32 $0xffff, v7, v8;
	_ =	sdelay $0xb  }
0x4d: {  	v7, v8, _ =	vpop (xrf1)  }
0x4e: {  	v7 =	vperm.xlane v7, v5  }
0x4f: {  	v8 =	vperm.xlane v8, v5;
	v60, v61, _ =	vpop (xrf1)  }
0x50: {  	vm1 =	vge.f32 v60, v7  }
0x51: {  	v7 =	vsel vm1, v60, v7;
	v8 =	vsel vm1, v61, v8  }
0x52: {  	(xrf1) =	vsort.dscd.msk.f32 $0xffff, v7, v8;
	_ =	sdelay $0xd  }
0x53: {  	v7, v8, _ =	vpop (xrf1)  }
0x54: {  	(xrf0) =	vmax.scan.msk.f32 $0xffff, v7;
	_ =	sdelay $0x5  }
0x55: {  	v62, _, _ =	vpop (xrf0)  }
0x56: {  	v9 =	vbroadcast v62, $0xF;
	_ =	sdelay $0x1  }
0x57: {  	v7 =	vsub.f32 v7, v9;
	_ =	sdelay $0x1  }
0x58: {  	v7 =	vmul.f32 $1.442695020e+00, v7;
	_ =	sdelay $0x1  }
0x59: {  	(erf) = vpow2.f32 v7;
	_ =	sdelay $0x8  }
0x5a: {  	v7 =	vpop (erf)  }
0x5b: {  	v7 =	vnsel vm0, $0x0, v7  }
0x5c: {  	(xrf2) =	vadd.scan.msk.f32 $0xffff, v7;
	_ =	sdelay $0x9  }
0x5d: {  	v63, _, _ =	vpop (xrf2)  }
0x5e: {  	v9 =	vbroadcast v63, $0xF;
	_ =	sdelay $0x1  }
0x5f: {  	(erf) = vrcp.f32 v9;
	_ =	sdelay $0x8  }
0x60: {  	v9 =	vpop (erf)  }
0x61: {  	s14 =	sshra.s32 s14, $0x2;
	v7 =	vmul.f32 v9, v7  }
0x62: {  	[tilespmem:s14+$0x8000] =	vst v8  }
0x63: {  	[tilespmem:s14+$0xA000] =	vst v7  }
0x64: {  	[tilespmem:v8+s9+$0x0] =	vst.idx.add.f32.msk $0xff, v6  }
0x65: {  	[hbm4b:s4+s2] =	stream.linear.scatter [tilespmem:s10], [sflag:$0x2], $0x2000, $0x38;
	[tilespmem:$0xC040] =	vst v63  }
0x66: {  	_ =	swait.ge [sflag:s11], $0x2000  }
0x67: {  	[sflag:s11] =	ssyncset.done $0x0  }
0x68: {  	[sflag:s11] =	ssyncadd.s32 $0xFFFFE000  }
0x69: {  	[hbm4b:s5+s2] =	stream.linear.scatter [tilespmem:s12], [sflag:$0x2], $0x2000, $0x38;
	[tilespmem:$0xC040] =	vst v63  }
0x6a: {  	s13 =	sadd.s32 $0x1, s13;
	_ =	swait.ge [sflag:s11], $0x2000  }
0x6b: {  	p0 =	sne.s32 s13, s7;
	[sflag:s11] =	ssyncset.done $0x0  }
.Ltmp1:
0x6c: {  	[sflag:s11] =	ssyncadd.s32 $0xFFFFE000;
	(pc) =	sbr.rel @p0 .LBB2_1-.Ltmp1, $4  }
0x6d: {  	[hbm4b:s6+s2] =	stream.linear.scatter [tilespmem:s9], [sflag:$0x2], $0x40, $0x38;
	[tilespmem:$0xC040] =	vst v63  }
0x6e: {  	_ =	swait.ge [sflag:s11], $0x40  }
0x6f: {  	[sflag:s11] =	ssyncset.done $0x0  }
0x70: {  	[sflag:s11] =	ssyncadd.s32 $0xFFFFFFC0  }
0x71: {  	_ =	sfence.sel $0x180000  }
0x72: {  	[bflag:$0x0] =	sbarrier.arrive $0xFFFF  }
0x73: {  	p0 =	sne.s32 s1, $0x0;
	_ =	strace $0x90000047  }
0x74: {  	s0 =	sadd.s32 @!p0 $0x100000, s0;
	[bflag:$0x2] =	sbarrier.arrive $0xFFFF  }
0x75: {  	[sflag:s0] =	ssyncadd.tile.s32 @!p0 $0x1;
	_ =	shalt  }
.Lfunc_end2:
_tile_overlayer_lowered:
.L_overlay_start_2:
0x76: {  	(tag) =	ssettag $0x2  }
0x77: {  	s0 =	rddreg [dreg:$0x0];
	s2 =	stileid.u32  }
0x78: {  	s1 =	rddreg [dreg:$0x1];
	p0 =	sne.s32 s2, $0x0  }
0x79: {  	s3 =	rddreg [dreg:$0x2];
	[bflag:$0x3] =	sbarrier.arrive $0xFFFF;
	s2 =	simm.s32 @!p0 $0x1C02  }
0x7a: {  	[timem:s3], [sflag:s2] =	dma.local @!p0 [hbm:s0], s1  }
0x7b: {  	s0 =	simm.s32 @!p0 $0x2  }
0x7c: {  	_ =	swait.ge @!p0 [sflag:s0], s1  }
0x7d: {  	s1 =	ssub.s32 @!p0 $0x0, s1;
	[sflag:s0] =	ssyncset.done @!p0 $0x0  }
0x7e: {  	[sflag:s0] =	ssyncadd.s32 @!p0 s1  }
0x7f: {  	[bflag:$0x3] =	sbarrier.arrive $0xFFFF  }
0x80: {  	_ =	shalt  }

</sc_bundles>
